<compile_context>
chip_gen: v7x
topology: tpu7x:2x2x1
jax: 0.10.2.dev20260603
libtpu: 0.0.44.dev20260713+nightly
codegen_flags: <defaults>
</compile_context>

<pallas_src>
import functools

import jax
import jax.numpy as jnp
from jax import lax
from jax.experimental import pallas as pl
from jax.experimental.pallas import tpu as pltpu
from jax.experimental.pallas import tpu_sc as plsc

_COL_GROUPS = 8
_ROW_GROUPS = 4
_BLOCK_ROWS = 2048



def _bag_body(L, w_hbm, part_hbm, w_v, w_u, out_v, s0, s1):
    core = lax.axis_index("c")
    sub = lax.axis_index("s")
    wid = sub * 2 + core
    colg = wid % _COL_GROUPS
    rowg = wid // _COL_GROUPS
    rows = L // _ROW_GROUPS
    c0 = pl.multiple_of(colg * 128, 128)
    r0 = pl.multiple_of(rowg * rows, 8)

    half = rows // 2
    r1 = pl.multiple_of(rowg * rows + half, 8)
    cp0 = pltpu.async_copy(w_hbm.at[pl.ds(r0, half), pl.ds(c0, 128)], w_v, s0)
    cp1 = pltpu.async_copy(w_hbm.at[pl.ds(r1, half), pl.ds(c0, 128)], w_u, s1)

    zero = jnp.zeros((16,), jnp.float32)

    def body0(i, accs):
        return tuple(accs[v] + w_v[i, pl.ds(v * 16, 16)] for v in range(8))

    def body1(i, accs):
        return tuple(accs[v] + w_u[i, pl.ds(v * 16, 16)] for v in range(8))

    cp0.wait()
    accs = lax.fori_loop(0, half, body0, (zero,) * 8)
    cp1.wait()
    accs = lax.fori_loop(0, half, body1, accs)
    scale = jnp.float32(1.0 / L)
    for v in range(8):
        out_v[pl.ds(v * 16, 16)] = accs[v] * scale

    pltpu.sync_copy(out_v, part_hbm.at[pl.ds(rowg * L + c0, 128)])


def _sc_partials(W, L):
    mesh = plsc.VectorSubcoreMesh(core_axis_name="c", subcore_axis_name="s")
    return pl.kernel(
        functools.partial(_bag_body, L),
        out_type=jax.ShapeDtypeStruct((_ROW_GROUPS * L,), jnp.float32),
        mesh=mesh,
        scratch_types=[
            pltpu.VMEM((L // (2 * _ROW_GROUPS), 128), jnp.float32),
            pltpu.VMEM((L // (2 * _ROW_GROUPS), 128), jnp.float32),
            pltpu.VMEM((128,), jnp.float32),
            pltpu.SemaphoreType.DMA,
            pltpu.SemaphoreType.DMA,
        ],
    )(W)



def _add_body(L, x_ref, part_ref, o_ref):
    bag = (part_ref[pl.ds(0, L)] + part_ref[pl.ds(L, L)]
           + part_ref[pl.ds(2 * L, L)] + part_ref[pl.ds(3 * L, L)])
    o_ref[...] = x_ref[...] + bag.reshape(1, L)


def _tc_add(x2d, partials):
    rows, dim = x2d.shape
    grid = (rows // _BLOCK_ROWS,)
    return pl.pallas_call(
        functools.partial(_add_body, dim),
        grid=grid,
        in_specs=[
            pl.BlockSpec((_BLOCK_ROWS, dim), lambda i: (i, 0)),
            pl.BlockSpec((_ROW_GROUPS * dim,), lambda i: (0,)),
        ],
        out_specs=pl.BlockSpec((_BLOCK_ROWS, dim), lambda i: (i, 0)),
        out_shape=jax.ShapeDtypeStruct((rows, dim), jnp.float32),
        compiler_params=pltpu.CompilerParams(
            dimension_semantics=("parallel",),
        ),
    )(x2d, partials)


def kernel(x, W):
    B, S, L = x.shape
    partials = _sc_partials(W, L)
    x2d = x.reshape(B * S, L)
    out = _tc_add(x2d, partials)
    return out.reshape(B, S, L)

# --- scband reference (transcript-rebuilt; emitter-appended) ---
"""Pipeline reference for scband-position-embedding-51410758533723 (READ-ONLY COPY).

The authoritative reference and input builder live on the scoring server;
editing this copy changes nothing except your own understanding.
"""

import jax, jax.numpy as jnp
import numpy as np

SEQ_LEN_TABLE = 4096  # num_embeddings of the EmbeddingBag
DIM = 1024            # embedding dim; x.size(-1) must equal DIM for the broadcast add
B, S = 2, 4096        # x is [B, S, DIM]; positions has shape [S, DIM]

def setup_inputs(seed: int = 0) -> dict:
    key = jax.random.key(seed)
    k1, k2 = jax.random.split(key)
    x = jax.random.normal(k1, (B, S, DIM), dtype=jnp.float32)
    # learned EmbeddingBag weight table, per init_kwargs (sequence_length x dim)
    W = jax.random.normal(k2, (SEQ_LEN_TABLE, DIM), dtype=jnp.float32)
    return {"x": x, "W": W}

def reference(x, W):
    # positions = torch.arange(x.size(-1)).expand(x.size(-2), -1) -> [S, L], every row identical
    S_ = x.shape[-2]
    L = x.shape[-1]
    positions = jnp.arange(L)
    # nn.EmbeddingBag default mode='mean': each bag output = mean of gathered rows.
    gathered = jnp.take(W, positions, axis=0)   # [L, DIM] gather (SparseCore-friendly)
    bag = jnp.mean(gathered, axis=0)            # [DIM]
    # All S bags are identical (expand repeats the same index row), so broadcast instead of
    # materializing the [S, L, DIM] gather -- mathematically identical to EmbeddingBag output.
    emb = jnp.broadcast_to(bag, (S_, L))        # [S, DIM]
    return x + emb                               # broadcasts over leading batch dim

if __name__ == "__main__":
    import jax
    _d = setup_inputs()
    print(jax.jit(kernel)(*tuple(_d.values())))

</pallas_src>

<mosaic_0001>
#map = affine_map<(d0, d1) -> (0, 0)>
#map1 = affine_map<(d0, d1) -> (0)>
module attributes {stable_mosaic.version = 14 : i64} {
  func.func @_bag_body(%arg0: i32, %arg1: i32, %arg2: memref<4096x1024xf32, #tpu.memory_space<hbm>>, %arg3: memref<4096xf32, #tpu.memory_space<hbm>>, %arg4: memref<128x128xf32, #tpu.memory_space<vmem>>, %arg5: memref<128x128xf32, #tpu.memory_space<vmem>>, %arg6: memref<128xf32, #tpu.memory_space<vmem>>, %arg7: memref<!tpu.dma_semaphore, #tpu.memory_space<semaphore_mem>>, %arg8: memref<!tpu.dma_semaphore, #tpu.memory_space<semaphore_mem>>) attributes {dimension_semantics = [#tpu.dimension_semantics<core_parallel>, #tpu.dimension_semantics<subcore_parallel>], iteration_bounds = array<i64: 2, 16>, scalar_prefetch = 0 : i64, scratch_operands = 5 : i64, tpu.core_type = #tpu.core_type<sc_vector_subcore>, window_params = [{transform_indices = #map}, {transform_indices = #map1}]} {
    %mul3A = arith.constant 2 : i32
    %mul3A_0 = arith.muli %arg1, %mul3A : i32
    %add3A = arith.addi %mul3A_0, %arg0 : i32
    %jit3A = arith.constant 8 : i32
    %eq3A = arith.constant 0 : i32
    %eq3A_1 = arith.cmpi eq, %jit3A, %eq3A : i32
    %jit3A_2 = arith.constant 1 : i32
    %select_n3A = arith.select %eq3A_1, %jit3A_2, %jit3A : i32
    %rem3A = arith.remsi %add3A, %select_n3A : i32
    %ne3A = arith.constant 0 : i32
    %ne3A_3 = arith.cmpi ne, %rem3A, %ne3A : i32
    %lt3A = arith.constant 0 : i32
    %lt3A_4 = arith.cmpi slt, %rem3A, %lt3A : i32
    %lt3A_5 = arith.constant 0 : i32
    %lt3A_6 = arith.cmpi slt, %select_n3A, %lt3A_5 : i32
    %ne3A_7 = arith.xori %lt3A_4, %lt3A_6 : i1
    %and3A = arith.andi %ne3A_7, %ne3A_3 : i1
    %add3A_8 = arith.addi %rem3A, %select_n3A : i32
    %select_n3A_9 = arith.select %and3A, %add3A_8, %rem3A : i32
    %jit3A_10 = arith.constant 8 : i32
    %div3A = arith.divsi %add3A, %jit3A_10 : i32
    %sign3A = arith.constant 0 : i32
    %sign3A_11 = arith.cmpi sgt, %add3A, %sign3A : i32
    %sign3A_12 = arith.extui %sign3A_11 : i1 to i32
    %sign3A_13 = arith.constant 0 : i32
    %sign3A_14 = arith.cmpi slt, %add3A, %sign3A_13 : i32
    %sign3A_15 = arith.extui %sign3A_14 : i1 to i32
    %sign3A_16 = arith.subi %sign3A_12, %sign3A_15 : i32
    %sign3A_17 = arith.constant 0 : i32
    %sign3A_18 = arith.cmpi sgt, %jit3A_10, %sign3A_17 : i32
    %sign3A_19 = arith.extui %sign3A_18 : i1 to i32
    %sign3A_20 = arith.constant 0 : i32
    %sign3A_21 = arith.cmpi slt, %jit3A_10, %sign3A_20 : i32
    %sign3A_22 = arith.extui %sign3A_21 : i1 to i32
    %sign3A_23 = arith.subi %sign3A_19, %sign3A_22 : i32
    %ne3A_24 = arith.cmpi ne, %sign3A_16, %sign3A_23 : i32
    %rem3A_25 = arith.remsi %add3A, %jit3A_10 : i32
    %ne3A_26 = arith.constant 0 : i32
    %ne3A_27 = arith.cmpi ne, %rem3A_25, %ne3A_26 : i32
    %and3A_28 = arith.andi %ne3A_24, %ne3A_27 : i1
    %sub3A = arith.constant 1 : i32
    %sub3A_29 = arith.subi %div3A, %sub3A : i32
    %select_n3A_30 = arith.select %and3A_28, %sub3A_29, %div3A : i32
    %mul3A_31 = arith.constant 128 : i32
    %mul3A_32 = arith.muli %select_n3A_9, %mul3A_31 : i32
    %multiple_of3A = tpu.assume_multiple %mul3A_32, 128 : i32
    %mul3A_33 = arith.constant 256 : i32
    %mul3A_34 = arith.muli %select_n3A_30, %mul3A_33 : i32
    %multiple_of3A_35 = tpu.assume_multiple %mul3A_34, 8 : i32
    %mul3A_36 = arith.constant 256 : i32
    %mul3A_37 = arith.muli %select_n3A_30, %mul3A_36 : i32
    %add3A_38 = arith.constant 128 : i32
    %add3A_39 = arith.addi %mul3A_37, %add3A_38 : i32
    %multiple_of3A_40 = tpu.assume_multiple %add3A_39, 8 : i32
    %dma_start3A = tpu.memref_slice %arg2[%multiple_of3A_35, %multiple_of3A] : memref<4096x1024xf32, #tpu.memory_space<hbm>> -> memref<128x128xf32, #tpu.memory_space<hbm>>
    %dma_start3A_41 = tpu.memref_slice %arg2[%multiple_of3A_35, %multiple_of3A] : memref<4096x1024xf32, #tpu.memory_space<hbm>> -> memref<128x128xf32, #tpu.memory_space<hbm>>
    tpu.enqueue_dma source(%dma_start3A_41 : memref<128x128xf32, #tpu.memory_space<hbm>>) target(%arg4 : memref<128x128xf32, #tpu.memory_space<vmem>>) target_semaphore(%arg7 : memref<!tpu.dma_semaphore, #tpu.memory_space<semaphore_mem>>)
    %dma_start3A_42 = tpu.memref_slice %arg2[%multiple_of3A_40, %multiple_of3A] : memref<4096x1024xf32, #tpu.memory_space<hbm>> -> memref<128x128xf32, #tpu.memory_space<hbm>>
    %dma_start3A_43 = tpu.memref_slice %arg2[%multiple_of3A_40, %multiple_of3A] : memref<4096x1024xf32, #tpu.memory_space<hbm>> -> memref<128x128xf32, #tpu.memory_space<hbm>>
    tpu.enqueue_dma source(%dma_start3A_43 : memref<128x128xf32, #tpu.memory_space<hbm>>) target(%arg5 : memref<128x128xf32, #tpu.memory_space<vmem>>) target_semaphore(%arg8 : memref<!tpu.dma_semaphore, #tpu.memory_space<semaphore_mem>>)
    %broadcast_in_dim3A = arith.constant 0.000000e+00 : f32
    %broadcast_in_dim3A_44 = vector.broadcast %broadcast_in_dim3A : f32 to vector<16xf32>
    %dma_wait3A = tpu.memref_slice %arg2[%multiple_of3A_35, %multiple_of3A] : memref<4096x1024xf32, #tpu.memory_space<hbm>> -> memref<128x128xf32, #tpu.memory_space<hbm>>
    %dma_wait3A_45 = tpu.memref_slice %arg2[%multiple_of3A_35, %multiple_of3A] : memref<4096x1024xf32, #tpu.memory_space<hbm>> -> memref<128x128xf32, #tpu.memory_space<hbm>>
    tpu.wait_dma2 semaphore(%arg7 : memref<!tpu.dma_semaphore, #tpu.memory_space<semaphore_mem>>) src(%dma_wait3A_45 : memref<128x128xf32, #tpu.memory_space<hbm>>) dst(%arg4 : memref<128x128xf32, #tpu.memory_space<vmem>>)
    %scan3A = arith.constant 0 : i32
    %scan3A_46 = arith.constant 128 : i32
    %scan3A_47 = arith.addi %scan3A, %scan3A_46 : i32
    %scan3A_48 = arith.constant 1 : i32
    %scan3A_49:8 = scf.for %scan3A_117 = %scan3A to %scan3A_47 step %scan3A_48 iter_args(%scan3A_118 = %broadcast_in_dim3A_44, %scan3A_119 = %broadcast_in_dim3A_44, %scan3A_120 = %broadcast_in_dim3A_44, %scan3A_121 = %broadcast_in_dim3A_44, %scan3A_122 = %broadcast_in_dim3A_44, %scan3A_123 = %broadcast_in_dim3A_44, %scan3A_124 = %broadcast_in_dim3A_44, %scan3A_125 = %broadcast_in_dim3A_44) -> (vector<16xf32>, vector<16xf32>, vector<16xf32>, vector<16xf32>, vector<16xf32>, vector<16xf32>, vector<16xf32>, vector<16xf32>)  : i32 {
      %get3A = arith.index_cast %scan3A_117 : i32 to index
      %get3A_126 = arith.constant 0 : index
      %get3A_127 = tpu.vector_load %arg4[%get3A, %get3A_126] {strides = array<i32>} : memref<128x128xf32, #tpu.memory_space<vmem>>, vector<1x16xf32>,
      %get3A_128 = vector.shape_cast %get3A_127 : vector<1x16xf32> to vector<16xf32>
      %add3A_129 = arith.addf %scan3A_118, %get3A_128 : vector<16xf32>
      %get3A_130 = arith.index_cast %scan3A_117 : i32 to index
      %get3A_131 = arith.constant 16 : index
      %get3A_132 = tpu.vector_load %arg4[%get3A_130, %get3A_131] {strides = array<i32>} : memref<128x128xf32, #tpu.memory_space<vmem>>, vector<1x16xf32>,
      %get3A_133 = vector.shape_cast %get3A_132 : vector<1x16xf32> to vector<16xf32>
      %add3A_134 = arith.addf %scan3A_119, %get3A_133 : vector<16xf32>
      %get3A_135 = arith.index_cast %scan3A_117 : i32 to index
      %get3A_136 = arith.constant 32 : index
      %get3A_137 = tpu.vector_load %arg4[%get3A_135, %get3A_136] {strides = array<i32>} : memref<128x128xf32, #tpu.memory_space<vmem>>, vector<1x16xf32>,
      %get3A_138 = vector.shape_cast %get3A_137 : vector<1x16xf32> to vector<16xf32>
      %add3A_139 = arith.addf %scan3A_120, %get3A_138 : vector<16xf32>
      %get3A_140 = arith.index_cast %scan3A_117 : i32 to index
      %get3A_141 = arith.constant 48 : index
      %get3A_142 = tpu.vector_load %arg4[%get3A_140, %get3A_141] {strides = array<i32>} : memref<128x128xf32, #tpu.memory_space<vmem>>, vector<1x16xf32>,
      %get3A_143 = vector.shape_cast %get3A_142 : vector<1x16xf32> to vector<16xf32>
      %add3A_144 = arith.addf %scan3A_121, %get3A_143 : vector<16xf32>
      %get3A_145 = arith.index_cast %scan3A_117 : i32 to index
      %get3A_146 = arith.constant 64 : index
      %get3A_147 = tpu.vector_load %arg4[%get3A_145, %get3A_146] {strides = array<i32>} : memref<128x128xf32, #tpu.memory_space<vmem>>, vector<1x16xf32>,
      %get3A_148 = vector.shape_cast %get3A_147 : vector<1x16xf32> to vector<16xf32>
      %add3A_149 = arith.addf %scan3A_122, %get3A_148 : vector<16xf32>
      %get3A_150 = arith.index_cast %scan3A_117 : i32 to index
      %get3A_151 = arith.constant 80 : index
      %get3A_152 = tpu.vector_load %arg4[%get3A_150, %get3A_151] {strides = array<i32>} : memref<128x128xf32, #tpu.memory_space<vmem>>, vector<1x16xf32>,
      %get3A_153 = vector.shape_cast %get3A_152 : vector<1x16xf32> to vector<16xf32>
      %add3A_154 = arith.addf %scan3A_123, %get3A_153 : vector<16xf32>
      %get3A_155 = arith.index_cast %scan3A_117 : i32 to index
      %get3A_156 = arith.constant 96 : index
      %get3A_157 = tpu.vector_load %arg4[%get3A_155, %get3A_156] {strides = array<i32>} : memref<128x128xf32, #tpu.memory_space<vmem>>, vector<1x16xf32>,
      %get3A_158 = vector.shape_cast %get3A_157 : vector<1x16xf32> to vector<16xf32>
      %add3A_159 = arith.addf %scan3A_124, %get3A_158 : vector<16xf32>
      %get3A_160 = arith.index_cast %scan3A_117 : i32 to index
      %get3A_161 = arith.constant 112 : index
      %get3A_162 = tpu.vector_load %arg4[%get3A_160, %get3A_161] {strides = array<i32>} : memref<128x128xf32, #tpu.memory_space<vmem>>, vector<1x16xf32>,
      %get3A_163 = vector.shape_cast %get3A_162 : vector<1x16xf32> to vector<16xf32>
      %add3A_164 = arith.addf %scan3A_125, %get3A_163 : vector<16xf32>
      scf.yield %add3A_129, %add3A_134, %add3A_139, %add3A_144, %add3A_149, %add3A_154, %add3A_159, %add3A_164 : vector<16xf32>, vector<16xf32>, vector<16xf32>, vector<16xf32>, vector<16xf32>, vector<16xf32>, vector<16xf32>, vector<16xf32>
    }
    %scan3A_50 = arith.constant 128 : i32
    %dma_wait3A_51 = tpu.memref_slice %arg2[%multiple_of3A_40, %multiple_of3A] : memref<4096x1024xf32, #tpu.memory_space<hbm>> -> memref<128x128xf32, #tpu.memory_space<hbm>>
    %dma_wait3A_52 = tpu.memref_slice %arg2[%multiple_of3A_40, %multiple_of3A] : memref<4096x1024xf32, #tpu.memory_space<hbm>> -> memref<128x128xf32, #tpu.memory_space<hbm>>
    tpu.wait_dma2 semaphore(%arg8 : memref<!tpu.dma_semaphore, #tpu.memory_space<semaphore_mem>>) src(%dma_wait3A_52 : memref<128x128xf32, #tpu.memory_space<hbm>>) dst(%arg5 : memref<128x128xf32, #tpu.memory_space<vmem>>)
    %scan3A_53 = arith.constant 0 : i32
    %scan3A_54 = arith.constant 128 : i32
    %scan3A_55 = arith.addi %scan3A_53, %scan3A_54 : i32
    %scan3A_56 = arith.constant 1 : i32
    %scan3A_57:8 = scf.for %scan3A_117 = %scan3A_53 to %scan3A_55 step %scan3A_56 iter_args(%scan3A_118 = %scan3A_49#0, %scan3A_119 = %scan3A_49#1, %scan3A_120 = %scan3A_49#2, %scan3A_121 = %scan3A_49#3, %scan3A_122 = %scan3A_49#4, %scan3A_123 = %scan3A_49#5, %scan3A_124 = %scan3A_49#6, %scan3A_125 = %scan3A_49#7) -> (vector<16xf32>, vector<16xf32>, vector<16xf32>, vector<16xf32>, vector<16xf32>, vector<16xf32>, vector<16xf32>, vector<16xf32>)  : i32 {
      %get3A = arith.index_cast %scan3A_117 : i32 to index
      %get3A_126 = arith.constant 0 : index
      %get3A_127 = tpu.vector_load %arg5[%get3A, %get3A_126] {strides = array<i32>} : memref<128x128xf32, #tpu.memory_space<vmem>>, vector<1x16xf32>,
      %get3A_128 = vector.shape_cast %get3A_127 : vector<1x16xf32> to vector<16xf32>
      %add3A_129 = arith.addf %scan3A_118, %get3A_128 : vector<16xf32>
      %get3A_130 = arith.index_cast %scan3A_117 : i32 to index
      %get3A_131 = arith.constant 16 : index
      %get3A_132 = tpu.vector_load %arg5[%get3A_130, %get3A_131] {strides = array<i32>} : memref<128x128xf32, #tpu.memory_space<vmem>>, vector<1x16xf32>,
      %get3A_133 = vector.shape_cast %get3A_132 : vector<1x16xf32> to vector<16xf32>
      %add3A_134 = arith.addf %scan3A_119, %get3A_133 : vector<16xf32>
      %get3A_135 = arith.index_cast %scan3A_117 : i32 to index
      %get3A_136 = arith.constant 32 : index
      %get3A_137 = tpu.vector_load %arg5[%get3A_135, %get3A_136] {strides = array<i32>} : memref<128x128xf32, #tpu.memory_space<vmem>>, vector<1x16xf32>,
      %get3A_138 = vector.shape_cast %get3A_137 : vector<1x16xf32> to vector<16xf32>
      %add3A_139 = arith.addf %scan3A_120, %get3A_138 : vector<16xf32>
      %get3A_140 = arith.index_cast %scan3A_117 : i32 to index
      %get3A_141 = arith.constant 48 : index
      %get3A_142 = tpu.vector_load %arg5[%get3A_140, %get3A_141] {strides = array<i32>} : memref<128x128xf32, #tpu.memory_space<vmem>>, vector<1x16xf32>,
      %get3A_143 = vector.shape_cast %get3A_142 : vector<1x16xf32> to vector<16xf32>
      %add3A_144 = arith.addf %scan3A_121, %get3A_143 : vector<16xf32>
      %get3A_145 = arith.index_cast %scan3A_117 : i32 to index
      %get3A_146 = arith.constant 64 : index
      %get3A_147 = tpu.vector_load %arg5[%get3A_145, %get3A_146] {strides = array<i32>} : memref<128x128xf32, #tpu.memory_space<vmem>>, vector<1x16xf32>,
      %get3A_148 = vector.shape_cast %get3A_147 : vector<1x16xf32> to vector<16xf32>
      %add3A_149 = arith.addf %scan3A_122, %get3A_148 : vector<16xf32>
      %get3A_150 = arith.index_cast %scan3A_117 : i32 to index
      %get3A_151 = arith.constant 80 : index
      %get3A_152 = tpu.vector_load %arg5[%get3A_150, %get3A_151] {strides = array<i32>} : memref<128x128xf32, #tpu.memory_space<vmem>>, vector<1x16xf32>,
      %get3A_153 = vector.shape_cast %get3A_152 : vector<1x16xf32> to vector<16xf32>
      %add3A_154 = arith.addf %scan3A_123, %get3A_153 : vector<16xf32>
      %get3A_155 = arith.index_cast %scan3A_117 : i32 to index
      %get3A_156 = arith.constant 96 : index
      %get3A_157 = tpu.vector_load %arg5[%get3A_155, %get3A_156] {strides = array<i32>} : memref<128x128xf32, #tpu.memory_space<vmem>>, vector<1x16xf32>,
      %get3A_158 = vector.shape_cast %get3A_157 : vector<1x16xf32> to vector<16xf32>
      %add3A_159 = arith.addf %scan3A_124, %get3A_158 : vector<16xf32>
      %get3A_160 = arith.index_cast %scan3A_117 : i32 to index
      %get3A_161 = arith.constant 112 : index
      %get3A_162 = tpu.vector_load %arg5[%get3A_160, %get3A_161] {strides = array<i32>} : memref<128x128xf32, #tpu.memory_space<vmem>>, vector<1x16xf32>,
      %get3A_163 = vector.shape_cast %get3A_162 : vector<1x16xf32> to vector<16xf32>
      %add3A_164 = arith.addf %scan3A_125, %get3A_163 : vector<16xf32>
      scf.yield %add3A_129, %add3A_134, %add3A_139, %add3A_144, %add3A_149, %add3A_154, %add3A_159, %add3A_164 : vector<16xf32>, vector<16xf32>, vector<16xf32>, vector<16xf32>, vector<16xf32>, vector<16xf32>, vector<16xf32>, vector<16xf32>
    }
    %scan3A_58 = arith.constant 128 : i32
    %mul3A_59 = arith.constant 9.765625E-4 : f32
    %mul3A_60 = vector.broadcast %mul3A_59 : f32 to vector<16xf32>
    %mul3A_61 = arith.mulf %scan3A_57#0, %mul3A_60 : vector<16xf32>
    %swap3A = arith.constant 0 : index
    %swap3A_62 = tpu.vector_load %arg6[%swap3A] {strides = array<i32>} : memref<128xf32, #tpu.memory_space<vmem>>, vector<16xf32>,
    %swap3A_63 = vector.shape_cast %swap3A_62 : vector<16xf32> to vector<16xf32>
    %swap3A_64 = vector.shape_cast %mul3A_61 : vector<16xf32> to vector<16xf32>
    tpu.vector_store %arg6[%swap3A], %swap3A_64 {strides = array<i32>} : memref<128xf32, #tpu.memory_space<vmem>>, vector<16xf32>,
    %mul3A_65 = arith.constant 9.765625E-4 : f32
    %mul3A_66 = vector.broadcast %mul3A_65 : f32 to vector<16xf32>
    %mul3A_67 = arith.mulf %scan3A_57#1, %mul3A_66 : vector<16xf32>
    %swap3A_68 = arith.constant 16 : index
    %swap3A_69 = tpu.vector_load %arg6[%swap3A_68] {strides = array<i32>} : memref<128xf32, #tpu.memory_space<vmem>>, vector<16xf32>,
    %swap3A_70 = vector.shape_cast %swap3A_69 : vector<16xf32> to vector<16xf32>
    %swap3A_71 = vector.shape_cast %mul3A_67 : vector<16xf32> to vector<16xf32>
    tpu.vector_store %arg6[%swap3A_68], %swap3A_71 {strides = array<i32>} : memref<128xf32, #tpu.memory_space<vmem>>, vector<16xf32>,
    %mul3A_72 = arith.constant 9.765625E-4 : f32
    %mul3A_73 = vector.broadcast %mul3A_72 : f32 to vector<16xf32>
    %mul3A_74 = arith.mulf %scan3A_57#2, %mul3A_73 : vector<16xf32>
    %swap3A_75 = arith.constant 32 : index
    %swap3A_76 = tpu.vector_load %arg6[%swap3A_75] {strides = array<i32>} : memref<128xf32, #tpu.memory_space<vmem>>, vector<16xf32>,
    %swap3A_77 = vector.shape_cast %swap3A_76 : vector<16xf32> to vector<16xf32>
    %swap3A_78 = vector.shape_cast %mul3A_74 : vector<16xf32> to vector<16xf32>
    tpu.vector_store %arg6[%swap3A_75], %swap3A_78 {strides = array<i32>} : memref<128xf32, #tpu.memory_space<vmem>>, vector<16xf32>,
    %mul3A_79 = arith.constant 9.765625E-4 : f32
    %mul3A_80 = vector.broadcast %mul3A_79 : f32 to vector<16xf32>
    %mul3A_81 = arith.mulf %scan3A_57#3, %mul3A_80 : vector<16xf32>
    %swap3A_82 = arith.constant 48 : index
    %swap3A_83 = tpu.vector_load %arg6[%swap3A_82] {strides = array<i32>} : memref<128xf32, #tpu.memory_space<vmem>>, vector<16xf32>,
    %swap3A_84 = vector.shape_cast %swap3A_83 : vector<16xf32> to vector<16xf32>
    %swap3A_85 = vector.shape_cast %mul3A_81 : vector<16xf32> to vector<16xf32>
    tpu.vector_store %arg6[%swap3A_82], %swap3A_85 {strides = array<i32>} : memref<128xf32, #tpu.memory_space<vmem>>, vector<16xf32>,
    %mul3A_86 = arith.constant 9.765625E-4 : f32
    %mul3A_87 = vector.broadcast %mul3A_86 : f32 to vector<16xf32>
    %mul3A_88 = arith.mulf %scan3A_57#4, %mul3A_87 : vector<16xf32>
    %swap3A_89 = arith.constant 64 : index
    %swap3A_90 = tpu.vector_load %arg6[%swap3A_89] {strides = array<i32>} : memref<128xf32, #tpu.memory_space<vmem>>, vector<16xf32>,
    %swap3A_91 = vector.shape_cast %swap3A_90 : vector<16xf32> to vector<16xf32>
    %swap3A_92 = vector.shape_cast %mul3A_88 : vector<16xf32> to vector<16xf32>
    tpu.vector_store %arg6[%swap3A_89], %swap3A_92 {strides = array<i32>} : memref<128xf32, #tpu.memory_space<vmem>>, vector<16xf32>,
    %mul3A_93 = arith.constant 9.765625E-4 : f32
    %mul3A_94 = vector.broadcast %mul3A_93 : f32 to vector<16xf32>
    %mul3A_95 = arith.mulf %scan3A_57#5, %mul3A_94 : vector<16xf32>
    %swap3A_96 = arith.constant 80 : index
    %swap3A_97 = tpu.vector_load %arg6[%swap3A_96] {strides = array<i32>} : memref<128xf32, #tpu.memory_space<vmem>>, vector<16xf32>,
    %swap3A_98 = vector.shape_cast %swap3A_97 : vector<16xf32> to vector<16xf32>
    %swap3A_99 = vector.shape_cast %mul3A_95 : vector<16xf32> to vector<16xf32>
    tpu.vector_store %arg6[%swap3A_96], %swap3A_99 {strides = array<i32>} : memref<128xf32, #tpu.memory_space<vmem>>, vector<16xf32>,
    %mul3A_100 = arith.constant 9.765625E-4 : f32
    %mul3A_101 = vector.broadcast %mul3A_100 : f32 to vector<16xf32>
    %mul3A_102 = arith.mulf %scan3A_57#6, %mul3A_101 : vector<16xf32>
    %swap3A_103 = arith.constant 96 : index
    %swap3A_104 = tpu.vector_load %arg6[%swap3A_103] {strides = array<i32>} : memref<128xf32, #tpu.memory_space<vmem>>, vector<16xf32>,
    %swap3A_105 = vector.shape_cast %swap3A_104 : vector<16xf32> to vector<16xf32>
    %swap3A_106 = vector.shape_cast %mul3A_102 : vector<16xf32> to vector<16xf32>
    tpu.vector_store %arg6[%swap3A_103], %swap3A_106 {strides = array<i32>} : memref<128xf32, #tpu.memory_space<vmem>>, vector<16xf32>,
    %mul3A_107 = arith.constant 9.765625E-4 : f32
    %mul3A_108 = vector.broadcast %mul3A_107 : f32 to vector<16xf32>
    %mul3A_109 = arith.mulf %scan3A_57#7, %mul3A_108 : vector<16xf32>
    %swap3A_110 = arith.constant 112 : index
    %swap3A_111 = tpu.vector_load %arg6[%swap3A_110] {strides = array<i32>} : memref<128xf32, #tpu.memory_space<vmem>>, vector<16xf32>,
    %swap3A_112 = vector.shape_cast %swap3A_111 : vector<16xf32> to vector<16xf32>
    %swap3A_113 = vector.shape_cast %mul3A_109 : vector<16xf32> to vector<16xf32>
    tpu.vector_store %arg6[%swap3A_110], %swap3A_113 {strides = array<i32>} : memref<128xf32, #tpu.memory_space<vmem>>, vector<16xf32>,
    %mul3A_114 = arith.constant 1024 : i32
    %mul3A_115 = arith.muli %select_n3A_30, %mul3A_114 : i32
    %add3A_116 = arith.addi %mul3A_115, %multiple_of3A : i32
    "tpu.region"() ({
      %run_scoped3A = tpu.sem_alloc : memref<!tpu.dma_semaphore, #tpu.memory_space<semaphore_mem>>
      %dma_start3A_117 = tpu.memref_slice %arg3[%add3A_116] : memref<4096xf32, #tpu.memory_space<hbm>> -> memref<128xf32, #tpu.memory_space<hbm>>
      %dma_start3A_118 = tpu.memref_slice %arg3[%add3A_116] : memref<4096xf32, #tpu.memory_space<hbm>> -> memref<128xf32, #tpu.memory_space<hbm>>
      tpu.enqueue_dma source(%arg6 : memref<128xf32, #tpu.memory_space<vmem>>) target(%dma_start3A_118 : memref<128xf32, #tpu.memory_space<hbm>>) target_semaphore(%run_scoped3A : memref<!tpu.dma_semaphore, #tpu.memory_space<semaphore_mem>>)
      %dma_wait3A_119 = tpu.memref_slice %arg3[%add3A_116] : memref<4096xf32, #tpu.memory_space<hbm>> -> memref<128xf32, #tpu.memory_space<hbm>>
      %dma_wait3A_120 = tpu.memref_slice %arg3[%add3A_116] : memref<4096xf32, #tpu.memory_space<hbm>> -> memref<128xf32, #tpu.memory_space<hbm>>
      tpu.wait_dma2 semaphore(%run_scoped3A : memref<!tpu.dma_semaphore, #tpu.memory_space<semaphore_mem>>) src(%arg6 : memref<128xf32, #tpu.memory_space<vmem>>) dst(%dma_wait3A_120 : memref<128xf32, #tpu.memory_space<hbm>>)
      tpu.yield
    }) : () -> ()
    return
  }
}

module attributes {stable_mosaic.version = 14 : i64} {
  func.func @_add_body(%arg0: i32, %arg1: memref<2048x1024xf32, #tpu.memory_space<vmem>>, %arg2: memref<4096xf32, #tpu.memory_space<vmem>>, %arg3: memref<2048x1024xf32, #tpu.memory_space<vmem>>) attributes {dimension_semantics = [#tpu.dimension_semantics<parallel>], iteration_bounds = array<i64: 4>, scalar_prefetch = 0 : i64, scratch_operands = 0 : i64, tpu.core_type = #tpu.core_type<tc>, window_params = [{transform_indices = @transform_0, window_bounds = array<i64: 2048, 1024>}, {pipeline_mode = #tpu.pipeline_mode<synchronous>, transform_indices = @transform_1, window_bounds = array<i64: 4096>}, {transform_indices = @transform_2, window_bounds = array<i64: 2048, 1024>}]} {
    %get3A = arith.constant 0 : index
    %get3A_0 = vector.load %arg2[%get3A] : memref<4096xf32, #tpu.memory_space<vmem>>, vector<1024xf32>
    %get3A_1 = arith.constant 1024 : index
    %get3A_2 = vector.load %arg2[%get3A_1] : memref<4096xf32, #tpu.memory_space<vmem>>, vector<1024xf32>
    %add3A = arith.addf %get3A_0, %get3A_2 : vector<1024xf32>
    %get3A_3 = arith.constant 2048 : index
    %get3A_4 = vector.load %arg2[%get3A_3] : memref<4096xf32, #tpu.memory_space<vmem>>, vector<1024xf32>
    %add3A_5 = arith.addf %add3A, %get3A_4 : vector<1024xf32>
    %get3A_6 = arith.constant 3072 : index
    %get3A_7 = vector.load %arg2[%get3A_6] : memref<4096xf32, #tpu.memory_space<vmem>>, vector<1024xf32>
    %add3A_8 = arith.addf %add3A_5, %get3A_7 : vector<1024xf32>
    %get3A_9 = arith.constant 0 : index
    %get3A_10 = arith.constant 0 : index
    %get3A_11 = vector.load %arg1[%get3A_9, %get3A_10] : memref<2048x1024xf32, #tpu.memory_space<vmem>>, vector<2048x1024xf32>
    %reshape3A = vector.shape_cast %add3A_8 : vector<1024xf32> to vector<1x1024xf32>
    %add3A_12 = vector.broadcast %reshape3A : vector<1x1024xf32> to vector<2048x1024xf32>
    %add3A_13 = arith.addf %get3A_11, %add3A_12 : vector<2048x1024xf32>
    %swap3A = arith.constant 0 : index
    %swap3A_14 = arith.constant 0 : index
    %swap3A_15 = vector.load %arg3[%swap3A, %swap3A_14] : memref<2048x1024xf32, #tpu.memory_space<vmem>>, vector<2048x1024xf32>
    tpu.vector_store %arg3[%swap3A, %swap3A_14], %add3A_13 {strides = array<i32>} : memref<2048x1024xf32, #tpu.memory_space<vmem>>, vector<2048x1024xf32>,
    return
  }
  func.func @transform_0(%arg0: i32) -> (i32, i32) {
    %c0_i32 = arith.constant 0 : i32
    %c0_i32_0 = arith.constant 0 : i32
    return %arg0, %c0_i32 : i32, i32
  }
  func.func @transform_1(%arg0: i32) -> i32 {
    %c0_i32 = arith.constant 0 : i32
    %c0_i32_0 = arith.constant 0 : i32
    return %c0_i32 : i32
  }
  func.func @transform_2(%arg0: i32) -> (i32, i32) {
    %c0_i32 = arith.constant 0 : i32
    %c0_i32_0 = arith.constant 0 : i32
    return %arg0, %c0_i32 : i32, i32
  }
}

</mosaic_0001>

<sc_bundles>
// kernel: kernel.4.cloned.1.call-start
scs
__scs_entry_jumppad:
0x0: {  	(pc) =	sbr.rel $0x88, $3  }
0x1: {  	(tag) =	ssettag $0x0;
	lr =	simm.s32 $0x1  }
0x2: {  	[smem:$0x3F9F] =	sst lr;
	_ =	strace $0xD0000000  }
0x3: {  	_ = 	snop  }
0x4: {  	_ = 	snop  }
0x5: {  	_ = 	snop  }
0x6: {  	_ = 	snop  }
0x7: {  	_ = 	snop  }
__scs_overlays_trampoline_lowered:
0x8: {  	[smem:$0x3FAE] =	sst s0  }
0x9: {  	[smem:$0x3FAF] =	sst s1  }
0xa: {  	[smem:$0x3FB0] =	sst s2  }
0xb: {  	[smem:$0x3FB1] =	sst s3  }
0xc: {  	[smem:$0x3FB2] =	sst s4  }
0xd: {  	[smem:$0x3FB3] =	sst s5  }
0xe: {  	[smem:$0x3FB4] =	sst s6  }
0xf: {  	[smem:$0x3FB5] =	sst s7  }
0x10: {  	[smem:$0x3FB6] =	sst s8  }
0x11: {  	[smem:$0x3FB7] =	sst s9;
	s0 =	simm.s32 @!p0 $0x0  }
0x12: {  	s1 =	sld [smem:$0x3F9D];
	s0 =	simm.s32 @p0 $0x1  }
0x13: {  	[smem:$0x3FB8] =	sst s0;
	s0 =	simm.s32 @!p1 $0x0  }
0x14: {  	s2 =	sld [smem:$0x3F9C];
	s0 =	simm.s32 @p1 $0x1  }
0x15: {  	[smem:$0x3FB9] =	sst s0;
	s0 =	simm.s32 @!p2 $0x0  }
0x16: {  	s3 =	sld [smem:$0x3FDB];
	s0 =	simm.s32 @p2 $0x1  }
0x17: {  	s4 =	simm.s32 $0x1BF5;
	[smem:$0x3FBB] =	sst s0  }
0x18: {  	s0 =	sld [smem:$0x3F9E];
	_ =	swait.ge [sflag:s4], $0x0  }
0x19: {  	s7 =	sld [smem:$0x3F9F]  }
0x1a: {  	s8 =	sadd.s32 $0xFFFFE003, lr  }
0x1b: {  	s9 =	sadd.s32 $0xFFFFFEF7, lr;
	s5 =	simm.s32 $0xFFFFFFFF;
	p2 =	slt.u32 s8, $0xFFFFF086  }
0x1c: {  	p1 =	slt.u32 s9, $0xF7A;
	s5 =	simm.s32 @!p2 $0x0  }
0x1d: {  	s5 =	simm.s32 @p1 $0x1;
	p0 =	seq.s32 s7, s2  }
0x1e: {  	s7 =	smul.u32 @!p0 $0xF7A, s2;
	p2 =	seq.s32 @!p0 s5, $0x0  }
0x1f: {  	s9 =	smul.u32 $0xF7A, s1;
	s8 =	simm.s32 @!p0 $0x1BF5;
	p2 =	por !p2, p0  }
0x20: {  	[sflag:s8] =	ssyncset.s32 @!p0 $0xFFFFF086;
	s6 =	sadd.s32 @!p0 s3, s7;
	s7 =	simm.s32 @!p0 $0x108  }
0x21: {  	s3 =	sadd.s32 s3, s9;
	s6 =	sadd.s32 @!p0 $0x88, s6;
	s7 =	simm.s32 @p2 $0x1082  }
0x22: {  	[simem:s7], [sflag:s8] =	dma.local @!p0 [hbm:s6], $0xF7A  }
0x23: {  	s9 =	sor.u32 $0xD0000000, s2;
	s6 =	simm.s32 $0x108;
	_ =	swait.ge @!p0 [sflag:s8], $0x0  }
0x24: {  	s3 =	sadd.s32 $0x88, s3;
	s6 =	simm.s32 @!p1 $0x1082;
	[sflag:s4] =	ssyncset.s32 $0xFFFFF086  }
0x25: {  	[simem:s6], [sflag:s4] =	dma.local [hbm:s3], $0xF7A  }
0x26: {  	[smem:$0x3F9F] =	sst s1;
	(tag) =	ssettag s2;
	_ =	strace s9  }
0x27: {  	s1 =	sld [smem:$0x3FAF]  }
0x28: {  	s2 =	sld [smem:$0x3FB0]  }
0x29: {  	s4 =	sld [smem:$0x3FB2]  }
0x2a: {  	p0 =	seq.s32 s5, $0x0;
	s5 =	sld [smem:$0x3FB3]  }
0x2b: {  	s6 =	sld [smem:$0x3FB4]  }
0x2c: {  	s7 =	sld [smem:$0x3FB5]  }
0x2d: {  	s3 =	simm.s32 $0x108;
	s8 =	sld [smem:$0x3FB6]  }
0x2e: {  	s3 =	simm.s32 @!p0 $0x1082;
	s9 =	sld [smem:$0x3FB7]  }
0x2f: {  	lr =	sadd.s32 s0, s3;
	s0 =	sld [smem:$0x3FAE]  }
0x30: {  	s3 =	sld [smem:$0x3FB1]  }
0x31: {  	[smem:$0x3FBA] =	sst s10  }
0x32: {  	s10 =	sld [smem:$0x3FB8];
	_ =	sdelay $0x3  }
0x33: {  	p0 =	seq.s32 s10, $0x1;
	s10 =	sld [smem:$0x3FBA];
	_ =	sdelay $0x3  }
0x34: {  	[smem:$0x3FBA] =	sst s10  }
0x35: {  	s10 =	sld [smem:$0x3FB9];
	_ =	sdelay $0x3  }
0x36: {  	p1 =	seq.s32 s10, $0x1;
	s10 =	sld [smem:$0x3FBA];
	_ =	sdelay $0x3  }
0x37: {  	[smem:$0x3FBA] =	sst s10  }
0x38: {  	s10 =	sld [smem:$0x3FBB]  }
0x39: {  	_ = 	snop;
	(pc) =	sbr.ind lr, $3  }
0x3a: {  	_ = 	snop  }
0x3b: {  	_ = 	snop  }
0x3c: {  	p2 =	seq.s32 s10, $0x1;
	s10 =	sld [smem:$0x3FBA]  }
0x3d: {  	_ =	shalt  }
0x3e: {  	_ =	shalt  }
0x3f: {  	_ =	shalt  }
0x40: {  	_ =	shalt  }
0x41: {  	_ =	shalt  }
0x42: {  	_ =	shalt  }
0x43: {  	_ =	shalt  }
0x44: {  	_ =	shalt  }
0x45: {  	_ =	shalt  }
0x46: {  	_ =	shalt  }
0x47: {  	_ =	shalt  }
0x48: {  	_ =	shalt  }
0x49: {  	_ =	shalt  }
0x4a: {  	_ =	shalt  }
0x4b: {  	_ =	shalt  }
0x4c: {  	_ =	shalt  }
0x4d: {  	_ =	shalt  }
0x4e: {  	_ =	shalt  }
0x4f: {  	_ =	shalt  }
0x50: {  	_ =	shalt  }
0x51: {  	_ =	shalt  }
0x52: {  	_ =	shalt  }
0x53: {  	_ =	shalt  }
0x54: {  	_ =	shalt  }
0x55: {  	_ =	shalt  }
0x56: {  	_ =	shalt  }
0x57: {  	_ =	shalt  }
0x58: {  	_ =	shalt  }
0x59: {  	_ =	shalt  }
0x5a: {  	_ =	shalt  }
0x5b: {  	_ =	shalt  }
0x5c: {  	_ =	shalt  }
0x5d: {  	_ =	shalt  }
0x5e: {  	_ =	shalt  }
0x5f: {  	_ =	shalt  }
0x60: {  	_ =	shalt  }
0x61: {  	_ =	shalt  }
0x62: {  	_ =	shalt  }
0x63: {  	_ =	shalt  }
0x64: {  	_ =	shalt  }
0x65: {  	_ =	shalt  }
0x66: {  	_ =	shalt  }
0x67: {  	_ =	shalt  }
0x68: {  	_ =	shalt  }
0x69: {  	_ =	shalt  }
0x6a: {  	_ =	shalt  }
0x6b: {  	_ =	shalt  }
0x6c: {  	_ =	shalt  }
0x6d: {  	_ =	shalt  }
0x6e: {  	_ =	shalt  }
0x6f: {  	_ =	shalt  }
0x70: {  	_ =	shalt  }
0x71: {  	_ =	shalt  }
0x72: {  	_ =	shalt  }
0x73: {  	_ =	shalt  }
0x74: {  	_ =	shalt  }
0x75: {  	_ =	shalt  }
0x76: {  	_ =	shalt  }
0x77: {  	_ =	shalt  }
0x78: {  	_ =	shalt  }
0x79: {  	_ =	shalt  }
0x7a: {  	_ =	shalt  }
0x7b: {  	_ =	shalt  }
0x7c: {  	_ =	shalt  }
0x7d: {  	_ =	shalt  }
0x7e: {  	_ =	shalt  }
0x7f: {  	_ =	shalt  }
0x80: {  	_ =	shalt  }
0x81: {  	_ =	shalt  }
0x82: {  	_ =	shalt  }
0x83: {  	_ =	shalt  }
0x84: {  	_ =	shalt  }
0x85: {  	_ =	shalt  }
0x86: {  	_ =	shalt  }
0x87: {  	_ =	shalt  }
.Lfunc_end0:
.L_simem_size_0:
called_computation_lowered:
.L_overlay_start_0:
0x88: {  	s2 =	sld [smem:$0x3FD9]  }
0x89: {  	s3 =	sld [smem:$0x3FFE];
	_ =	sdelay $0x1  }
0x8a: {  	s1 =	srdreg.scid  }
0x8b: {  	s0 =	sand.u32 $0x1, s1  }
0x8c: {  	s18 =	sshll.u32 s0, $0xA;
	s2 =	sadd.s32 s3, s2  }
0x8d: {  	s2 =	sadd.s32 s2, s18  }
0x8e: {  	[smem:$0x3FC6] =	sst s2  }
0x8f: {  	_ = 	snop  }
0x90: {  	s2 =	sld [smem:$0x3FC8]  }
0x91: {  	s19 =	sld [smem:$0x3FD0];
	(tm) =	ssettm $0x1  }
0x92: {  	s4 =	sld [smem:$0x3FFB];
	_ =	sdelay $0x3  }
0x93: {  	_ =	strace s4  }
0x94: {  	s4 =	sld [smem:$0x3FFC];
	_ =	sdelay $0x3  }
0x95: {  	_ =	strace s4  }
0x96: {  	s4 =	sld [smem:$0x3FFD];
	_ =	sdelay $0x3  }
0x97: {  	_ =	strace s4  }
0x98: {  	_ =	strace $0x8FFFFFFF  }
0x99: {  	s20 =	sld [smem:$0x3FDB];
	_ =	sdelay $0x1  }
0x9a: {  	s5 =	simm.s32 $_scs_section_size  }
0x9b: {  	s6 =	simm.s32 $_size__tile_overlayer_lowered;
	s7 =	simm.s32 $_tile_overlayer_lowered  }
0x9c: {  	s23 =	simm.s32 $0x1BFF;
	s22 =	sshll.u32 s7, $0x1;
	s4 =	sadd.s32 s5, s20  }
0x9d: {  	s8 =	simm.s32 $0x0;
	s21 =	sshll.u32 s6, $0x1;
	s6 =	sadd.s32 s22, s4  }
0x9e: {  	[timem:s8], [sflag:s23] =	dma.local [hbm:s6], s21  }
0x9f: {  	_ =	swait.ge [sflag:s23], s21  }
0xa0: {  	s5 =	ssub.s32 $0x0, s21;
	[sflag:s23] =	ssyncset.done $0x0  }
0xa1: {  	[sflag:s23] =	ssyncadd.s32 s5;
	_ =	sdelay $0x1  }
0xa2: {  	s24 =	simm.s32 $0x1B8B  }
0xa3: {  	_ =	swait.ge [sflag:s24], $0x1  }
0xa4: {  	[sflag:s24] =	ssyncset.done $0x0  }
0xa5: {  	s25 =	simm.s32 $0x1B8E;
	[sflag:s24] =	ssyncadd.s32 $0xFFFFFFFF  }
0xa6: {  	s26 =	simm.s32 $execute0_lowered;
	[smem:$0x3FD2] =	sst s25  }
0xa7: {  	s5 =	sshll.u32 s26, $0x1;
	_ =	strace $0x80000046;
	[dreg:$0x1] =	wrdreg $0xFFFFFFFF  }
0xa8: {  	s28 =	simm.s32 $_size_execute0_lowered;
	s4 =	sadd.s32 s4, s5;
	[dreg:$0x0] =	wrdreg $0x0  }
0xa9: {  	s5 =	sshll.u32 s28, $0x1;
	[dreg:$0x2] =	wrdreg s4  }
0xaa: {  	[dreg:$0x3] =	wrdreg s5  }
0xab: {  	[dreg:$0x4] =	wrdreg $0xC0  }
0xac: {  	_ =	task [dreg:s8], $0x5FFFF  }
0xad: {  	[dreg:$0x1] =	wrdreg $0xFFFFFFFF  }
0xae: {  	[dreg:$0x0] =	wrdreg $0x60  }
0xaf: {  	[dreg:$0x2] =	wrdreg s2  }
0xb0: {  	[dreg:$0x3] =	wrdreg s19  }
0xb1: {  	[dreg:$0x4] =	wrdreg $0x9  }
0xb2: {  	_ =	task.clear_ibuf [dreg:s8], $0x5FFFF;
	_ =	strace $0x90000046  }
0xb3: {  	s29 =	simm.s32 $0x9;
	_ =	strace $0x80000048  }
0xb4: {  	_ =	swait.ge [sflag:s29], $0x1  }
0xb5: {  	[sflag:s29] =	ssyncadd.s32 $0xFFFFFFFF  }
0xb6: {  	_ =	strace $0x90000048  }
0xb7: {  	_ =	sfence  }
0xb8: {  	s30 =	sld [smem:$0x0];
	_ =	sdelay $0x2  }
0xb9: {  	s31 =	sshll.u32 s1, $0xD;
	s1 =	sshrl.u32 s1, $0x2  }
0xba: {  	s3 =	sand.u32 $0x4000, s31;
	s1 =	sadd.s32 s1, s30  }
0xbb: {  	s0 =	sor.u32 s3, s0;
	s1 =	sshll.u32 s1, $0x11  }
0xbc: {  	s0 =	sor.u32 s1, s0  }
0xbd: {  	s0 =	sadd.s32 $0x8F2B, s0  }
0xbe: {  	[sflag:s0] =	ssyncadd.remote.s32 $0x1  }
0xbf: {  	_ =	sfence.sel $0xFFFF  }
0xc0: {  	[dreg:$0x0] =	wrdreg $0xFFFFFFFF;
	(pc) =	sbr.abs _section_cstart, $3  }
0xc1: {  	[dreg:$0x1] =	wrdreg $0xFFFFFFFF  }
0xc2: {  	_ =	task.clear_ibuf [dreg:s8], $0x2FFFF;
	_ =	strace $0x9FFFFFFF  }
0xc3: {  	(tm) =	ssettm $0x7FFFFFFF  }
tec
execute0_lowered:
.L_overlay_start_1:
0x0: {  	(tag) =	ssettag $0x1  }
0x1: {  	s3 =	rddreg [dreg:$0x0]  }
0x2: {  	s5 =	rddreg [dreg:$0x1]  }
0x3: {  	s0 =	rddreg [dreg:$0x2];
	s1 =	stileid.u32  }
0x4: {  	s2 =	simm.s32 $0x0;
	s4 =	srdreg.scid;
	s9 =	simm.s32 $0x4000  }
0x5: {  	s10 =	simm.s32 $0x1;
	s11 =	simm.s32 $0x2;
	s12 =	simm.s32 $0x8000  }
0x6: {  	s13 =	simm.s32 $0x3;
	s14 =	simm.s32 $0x0;
	s6 =	sshll.u32 s1, $0x1  }
0x7: {  	[smem:$0x7FF] =	sst s2;
	s4 =	sand.u32 $0x1, s4;
	s6 =	sand.u32 $0x6, s6  }
0x8: {  	s7 =	sshrl.u32 s1, $0x2;
	_ =	strace $0x80000047;
	s6 =	sor.u32 s4, s6  }
0x9: {  	s8 =	sshll.u32 s7, $0xF;
	s4 =	ssub.s32 $0x2, s4;
	s6 =	sshll.u32 s6, $0x7  }
0xa: {  	s7 =	sshll.u32 s7, $0xA;
	s31 =	sshrl.u32 s4, $0x1;
	s8 =	sor.u32 s8, s6  }
0xb: {  	s6 =	sor.u32 s7, s6;
	s7 =	ssub.s32 s4, s31;
	s3 =	sadd.s32 s3, s8  }
0xc: {  	s6 =	sshrl.u32 s6, $0x3;
	s8 =	simm.s32 $0x2000;
	s4 =	sadd.s32 $0x4000, s3  }
0xd: {  	s5 =	sadd.s32 s5, s6;
	s6 =	smax.u32 s7, $0x1;
	s7 =	simm.s32 $0x400  }
.LBB2_1:
0xe: {  	[tilespmem:s2], [sflag:$0x1] =	stream.strided.gather [hbm4b:s3+s7], $0x4000, s8, s7, $0x38;
	[tilespmem:$0x8080] =	vst v63  }
0xf: {  	_ = 	snop  }
0x10: {  	[tilespmem:s9], [sflag:$0x2] =	stream.strided.gather [hbm4b:s4+s7], $0x4000, s8, s7, $0x38;
	[tilespmem:$0x8080] =	vst v63  }
0x11: {  	_ =	swait.ge [sflag:s10], $0x4000  }
0x12: {  	[sflag:s10] =	ssyncset.done $0x0  }
0x13: {  	s17 =	simm.s32 $0x0;
	[sflag:s10] =	ssyncadd.s32 $0xFFFFC000  }
0x14: {  	v0 =	vld [tilespmem:s17+$0x70]  }
0x15: {  	v2 =	vld [tilespmem:s17+$0x0]  }
0x16: {  	v4 =	vld [tilespmem:s17+$0x10]  }
0x17: {  	v5 =	vld [tilespmem:s17+$0x20]  }
0x18: {  	v8 =	vld [tilespmem:s17+$0x30]  }
0x19: {  	v3 =	vimm.f32 $0.0e+00;
	v9 =	vimm.f32 $0.0e+00;
	v6 =	vld [tilespmem:s17+$0x40]  }
0x1a: {  	v10 =	vimm.f32 $0.0e+00;
	v7 =	vimm.f32 $0.0e+00;
	v11 =	vld [tilespmem:s17+$0x50];
	v1 =	vadd.f32 v0, v3  }
0x1b: {  	s15 =	simm.s32 $0x80;
	s16 =	simm.s32 $0x400;
	v12 =	vld [tilespmem:s17+$0x60];
	v0 =	vadd.f32 v2, v3;
	v2 =	vadd.f32 v4, v3;
	v4 =	vimm.f32 $0.0e+00  }
.LBB2_2:
0x1c: {  	p0 =	sne.s32 s16, $0xFE00;
	v13 =	vld [tilespmem:s15+$0x70];
	v3 =	vadd.f32 v5, v3  }
0x1d: {  	v14 =	vld [tilespmem:s15+$0x0];
	v4 =	vadd.f32 v8, v4  }
0x1e: {  	v15 =	vld [tilespmem:s15+$0x10];
	v9 =	vadd.f32 v6, v9  }
.Ltmp0:
0x1f: {  	v5 =	vld [tilespmem:s15+$0x20];
	v10 =	vadd.f32 v11, v10;
	(pc) =	sbr.rel @p0 .LBB2_2-.Ltmp0, $4  }
0x20: {  	v8 =	vld [tilespmem:s15+$0x30];
	v7 =	vadd.f32 v12, v7  }
0x21: {  	v6 =	vld [tilespmem:s15+$0x40];
	v1 =	vadd.f32 v13, v1  }
0x22: {  	v0 =	vadd.f32 v14, v0;
	v11 =	vld [tilespmem:s15+$0x50]  }
0x23: {  	v2 =	vadd.f32 v15, v2;
	v12 =	vld [tilespmem:s15+$0x60];
	s15 =	sshra.s32 s16, $0x2;
	s16 =	sadd.s32 $0x200, s16  }
0x24: {  	v13 =	vld [tilespmem:s15+$0x70]  }
0x25: {  	v14 =	vld [tilespmem:s15+$0x0]  }
0x26: {  	v15 =	vld [tilespmem:s15+$0x10]  }
0x27: {  	v16 =	vld [tilespmem:s15+$0x20]  }
0x28: {  	v17 =	vld [tilespmem:s15+$0x30]  }
0x29: {  	v18 =	vld [tilespmem:s15+$0x40]  }
0x2a: {  	v19 =	vld [tilespmem:s15+$0x50]  }
0x2b: {  	v20 =	vld [tilespmem:s15+$0x60];
	_ =	swait.ge [sflag:s11], $0x4000  }
0x2c: {  	[sflag:s11] =	ssyncset.done $0x0  }
0x2d: {  	s17 =	simm.s32 $0x0;
	[sflag:s11] =	ssyncadd.s32 $0xFFFFC000  }
0x2e: {  	v3 =	vadd.f32 v5, v3;
	v4 =	vadd.f32 v8, v4;
	v21 =	vld [tilespmem:s17+$0x4070]  }
0x2f: {  	v8 =	vadd.f32 v6, v9;
	v9 =	vadd.f32 v11, v10;
	v10 =	vld [tilespmem:s17+$0x4000]  }
0x30: {  	v11 =	vadd.f32 v12, v7;
	v12 =	vadd.f32 v13, v1;
	v13 =	vld [tilespmem:s17+$0x4010]  }
0x31: {  	v6 =	vld [tilespmem:s17+$0x4020];
	v14 =	vadd.f32 v14, v0;
	v15 =	vadd.f32 v15, v2  }
0x32: {  	v7 =	vld [tilespmem:s17+$0x4030];
	v5 =	vadd.f32 v16, v3;
	v4 =	vadd.f32 v17, v4  }
0x33: {  	v3 =	vadd.f32 v18, v8;
	v2 =	vadd.f32 v19, v9;
	v8 =	vld [tilespmem:s17+$0x4040]  }
0x34: {  	v9 =	vld [tilespmem:s17+$0x4050];
	v1 =	vadd.f32 v20, v11;
	v0 =	vadd.f32 v21, v12  }
0x35: {  	s15 =	simm.s32 $0x80;
	s16 =	simm.s32 $0x400;
	v10 =	vadd.f32 v10, v14;
	v12 =	vld [tilespmem:s17+$0x4060];
	v11 =	vadd.f32 v13, v15  }
.LBB2_4:
0x36: {  	p0 =	sne.s32 s16, $0xFE00;
	v13 =	vld [tilespmem:s15+$0x4070];
	v5 =	vadd.f32 v6, v5  }
0x37: {  	v14 =	vld [tilespmem:s15+$0x4000];
	v4 =	vadd.f32 v7, v4  }
0x38: {  	v15 =	vld [tilespmem:s15+$0x4010];
	v3 =	vadd.f32 v8, v3  }
.Ltmp1:
0x39: {  	v6 =	vld [tilespmem:s15+$0x4020];
	v2 =	vadd.f32 v9, v2;
	(pc) =	sbr.rel @p0 .LBB2_4-.Ltmp1, $4  }
0x3a: {  	v7 =	vld [tilespmem:s15+$0x4030];
	v1 =	vadd.f32 v12, v1  }
0x3b: {  	v8 =	vld [tilespmem:s15+$0x4040];
	v0 =	vadd.f32 v13, v0  }
0x3c: {  	v10 =	vadd.f32 v14, v10;
	v9 =	vld [tilespmem:s15+$0x4050]  }
0x3d: {  	v11 =	vadd.f32 v15, v11;
	v12 =	vld [tilespmem:s15+$0x4060];
	s15 =	sshra.s32 s16, $0x2;
	s16 =	sadd.s32 $0x200, s16  }
0x3e: {  	v13 =	vld [tilespmem:s15+$0x4000]  }
0x3f: {  	v14 =	vld [tilespmem:s15+$0x4010]  }
0x40: {  	v15 =	vld [tilespmem:s15+$0x4020]  }
0x41: {  	v16 =	vld [tilespmem:s15+$0x4030]  }
0x42: {  	v17 =	vld [tilespmem:s15+$0x4040]  }
0x43: {  	v5 =	vadd.f32 v6, v5;
	v60 =	vld [tilespmem:s15+$0x4050];
	v59 =	vadd.f32 v13, v10  }
0x44: {  	v63 =	vld [tilespmem:s15+$0x4070];
	v4 =	vadd.f32 v7, v4;
	v61 =	vadd.f32 v14, v11  }
0x45: {  	v62 =	vld [tilespmem:s15+$0x4060];
	v3 =	vadd.f32 v8, v3;
	v5 =	vadd.f32 v15, v5;
	v6 =	vmul.f32 $9.765625000e-04, v59  }
0x46: {  	v2 =	vadd.f32 v9, v2;
	v4 =	vadd.f32 v16, v4;
	v7 =	vmul.f32 $9.765625000e-04, v61  }
0x47: {  	v3 =	vadd.f32 v17, v3;
	v5 =	vmul.f32 $9.765625000e-04, v5;
	[tilespmem:$0x8000] =	vst v6  }
0x48: {  	v1 =	vadd.f32 v12, v1;
	v2 =	vadd.f32 v60, v2;
	v4 =	vmul.f32 $9.765625000e-04, v4;
	[tilespmem:$0x8010] =	vst v7  }
0x49: {  	v0 =	vadd.f32 v63, v0;
	v3 =	vmul.f32 $9.765625000e-04, v3;
	[tilespmem:$0x8020] =	vst v5  }
0x4a: {  	v1 =	vadd.f32 v62, v1;
	v2 =	vmul.f32 $9.765625000e-04, v2;
	[tilespmem:$0x8030] =	vst v4  }
0x4b: {  	v0 =	vmul.f32 $9.765625000e-04, v0;
	[tilespmem:$0x8040] =	vst v3  }
0x4c: {  	s14 =	sadd.s32 $0x1, s14;
	v1 =	vmul.f32 $9.765625000e-04, v1;
	[tilespmem:$0x8050] =	vst v2  }
0x4d: {  	p0 =	sne.s32 s14, s6;
	[tilespmem:$0x8070] =	vst v0  }
.Ltmp2:
0x4e: {  	[tilespmem:$0x8060] =	vst v1;
	(pc) =	sbr.rel @p0 .LBB2_1-.Ltmp2, $4  }
0x4f: {  	[hbm4b:s5+s2] =	stream.linear.scatter [tilespmem:s12], [sflag:$0x3], $0x80, $0x38;
	[tilespmem:$0x8080] =	vst v63  }
0x50: {  	_ =	swait.ge [sflag:s13], $0x80  }
0x51: {  	[sflag:s13] =	ssyncset.done $0x0  }
0x52: {  	[sflag:s13] =	ssyncadd.s32 $0xFFFFFF80  }
0x53: {  	_ =	sfence.sel $0x180000  }
0x54: {  	[bflag:$0x0] =	sbarrier.arrive $0xFFFF  }
0x55: {  	p0 =	sne.s32 s1, $0x0;
	_ =	strace $0x90000047  }
0x56: {  	s0 =	sadd.s32 @!p0 $0x100000, s0;
	[bflag:$0x2] =	sbarrier.arrive $0xFFFF  }
0x57: {  	[sflag:s0] =	ssyncadd.tile.s32 @!p0 $0x1;
	_ =	shalt  }
.Lfunc_end2:
_tile_overlayer_lowered:
.L_overlay_start_2:
0x58: {  	(tag) =	ssettag $0x2  }
0x59: {  	s0 =	rddreg [dreg:$0x0];
	s2 =	stileid.u32  }
0x5a: {  	s1 =	rddreg [dreg:$0x1];
	p0 =	sne.s32 s2, $0x0  }
0x5b: {  	s3 =	rddreg [dreg:$0x2];
	[bflag:$0x3] =	sbarrier.arrive $0xFFFF;
	s2 =	simm.s32 @!p0 $0x1C03  }
0x5c: {  	[timem:s3], [sflag:s2] =	dma.local @!p0 [hbm:s0], s1  }
0x5d: {  	s0 =	simm.s32 @!p0 $0x3  }
0x5e: {  	_ =	swait.ge @!p0 [sflag:s0], s1  }
0x5f: {  	s1 =	ssub.s32 @!p0 $0x0, s1;
	[sflag:s0] =	ssyncset.done @!p0 $0x0  }
0x60: {  	[sflag:s0] =	ssyncadd.s32 @!p0 s1  }
0x61: {  	[bflag:$0x3] =	sbarrier.arrive $0xFFFF  }
0x62: {  	_ =	shalt  }

</sc_bundles>
